<compile_context>
chip_gen: v7x
topology: tpu7x:2x2x1
jax: 0.10.2.dev20260603
libtpu: 0.0.44.dev20260713+nightly
codegen_flags: <defaults>
</compile_context>

<pallas_src>
import functools

import jax
import jax.numpy as jnp
from jax import lax
from jax.experimental import pallas as pl
from jax.experimental.pallas import tpu as pltpu
from jax.experimental.pallas import tpu_sc as plsc

_B = 64
_HW = 196
_C = 768

_SC_WORKERS = 8
_SC_BPW = _B // _SC_WORKERS


def _sc_gather_rows(labels, gamma, beta):
    mesh = plsc.VectorSubcoreMesh(core_axis_name="c", subcore_axis_name="s")

    @functools.partial(
        pl.kernel,
        mesh=mesh,
        out_type=[
            jax.ShapeDtypeStruct((_B, _C), jnp.float32),
            jax.ShapeDtypeStruct((_B, _C), jnp.float32),
        ],
        scratch_types=[
            pltpu.VMEM((_SC_BPW,), jnp.int32),
            pltpu.VMEM((_SC_BPW, _C), jnp.float32),
            pltpu.VMEM((_SC_BPW, _C), jnp.float32),
            pltpu.SemaphoreType.DMA,
            pltpu.SemaphoreType.DMA,
        ],
    )
    def gather_kernel(labels_hbm, gamma_hbm, beta_hbm, g_out, b_out,
                      idx_v, g_rows, b_rows, sem_g, sem_b):
        wid = lax.axis_index("s") * 2 + lax.axis_index("c")

        @pl.when(wid < _SC_WORKERS)
        def _():
            base = wid * _SC_BPW
            pltpu.sync_copy(labels_hbm.at[pl.ds(base, _SC_BPW)], idx_v)
            cg = pltpu.async_copy(gamma_hbm.at[idx_v], g_rows, sem_g)
            cb = pltpu.async_copy(beta_hbm.at[idx_v], b_rows, sem_b)
            cg.wait()
            pltpu.sync_copy(g_rows, g_out.at[pl.ds(base, _SC_BPW)])
            cb.wait()
            pltpu.sync_copy(b_rows, b_out.at[pl.ds(base, _SC_BPW)])

    return gather_kernel(labels, gamma, beta)


def _tc_scale_shift(x3, g_rows, b_rows, block_b):

    def body(x_ref, g_ref, b_ref, o_ref):
        o_ref[...] = (
            x_ref[...] * g_ref[...][:, None, :] + b_ref[...][:, None, :]
        )

    return pl.pallas_call(
        body,
        grid=(_B // block_b,),
        in_specs=[
            pl.BlockSpec((block_b, _HW, _C), lambda i: (i, 0, 0)),
            pl.BlockSpec((block_b, _C), lambda i: (i, 0)),
            pl.BlockSpec((block_b, _C), lambda i: (i, 0)),
        ],
        out_specs=pl.BlockSpec((block_b, _HW, _C), lambda i: (i, 0, 0)),
        out_shape=jax.ShapeDtypeStruct((_B, _HW, _C), jnp.float32),
    )(x3, g_rows, b_rows)


@jax.jit
def kernel(x, class_labels, gamma, beta):
    labels = class_labels.reshape(_B)
    g_rows, b_rows = _sc_gather_rows(labels, gamma, beta)
    x3 = x.reshape(_B, _HW, _C)
    out = _tc_scale_shift(x3, g_rows, b_rows, block_b=8)
    return out.reshape(x.shape)

# --- scband reference (transcript-rebuilt; emitter-appended) ---
"""Pipeline reference for scband-conditional-center-scale-11965778886855 (READ-ONLY COPY).

The authoritative reference and input builder live on the scoring server;
editing this copy changes nothing except your own understanding.
"""

import jax, jax.numpy as jnp
import numpy as np

NUM_CLASSES = 1000
B, H, W, C = 64, 14, 14, 768


def setup_inputs(seed: int = 0) -> dict:
    key = jax.random.key(seed)
    k1, k2 = jax.random.split(key)
    x = jax.random.normal(k1, (B, H, W, C), dtype=jnp.float32)
    class_labels = jax.random.randint(k2, (B, 1), 0, NUM_CLASSES, dtype=jnp.int32)
    # Learned parameters, sized per build(): shape = (number_of_classes, input_shape[0][axis])
    gamma = jnp.ones((NUM_CLASSES, C), dtype=jnp.float32)  # gamma_initializer='ones'
    beta = jnp.zeros((NUM_CLASSES, C), dtype=jnp.float32)  # beta_initializer='zeros'
    return {"x": x, "class_labels": class_labels, "gamma": gamma, "beta": beta}


def reference(x, class_labels, gamma, beta):
    # class_labels: [B, 1] -> squeeze axis=1 -> [B]
    labels = jnp.squeeze(class_labels, axis=1)
    # broadcast_shape: [B, 1, 1, C] (axis=-1 => channel dim kept, batch dim kept)
    broadcast_shape = (x.shape[0], 1, 1, x.shape[-1])
    normed = x
    # scale: gather per-sample gamma rows, reshape for broadcast, multiply
    broadcast_gamma = jnp.take(gamma, labels, axis=0).reshape(broadcast_shape)
    normed = normed * broadcast_gamma
    # center: gather per-sample beta rows, reshape for broadcast, add
    broadcast_beta = jnp.take(beta, labels, axis=0).reshape(broadcast_shape)
    normed = normed + broadcast_beta
    return normed

if __name__ == "__main__":
    import jax
    _d = setup_inputs()
    print(jax.jit(kernel)(*tuple(_d.values())))

</pallas_src>

<mosaic_0001>
#map = affine_map<(d0, d1) -> (0)>
#map1 = affine_map<(d0, d1) -> (0, 0)>
module attributes {stable_mosaic.version = 14 : i64} {
  func.func @gather_kernel(%arg0: i32, %arg1: i32, %arg2: memref<64xi32, #tpu.memory_space<hbm>>, %arg3: memref<1000x768xf32, #tpu.memory_space<hbm>>, %arg4: memref<1000x768xf32, #tpu.memory_space<hbm>>, %arg5: memref<64x768xf32, #tpu.memory_space<hbm>>, %arg6: memref<64x768xf32, #tpu.memory_space<hbm>>, %arg7: memref<8xi32, #tpu.memory_space<vmem>>, %arg8: memref<8x768xf32, #tpu.memory_space<vmem>>, %arg9: memref<8x768xf32, #tpu.memory_space<vmem>>, %arg10: memref<!tpu.dma_semaphore, #tpu.memory_space<semaphore_mem>>, %arg11: memref<!tpu.dma_semaphore, #tpu.memory_space<semaphore_mem>>) attributes {dimension_semantics = [#tpu.dimension_semantics<core_parallel>, #tpu.dimension_semantics<subcore_parallel>], iteration_bounds = array<i64: 2, 16>, scalar_prefetch = 0 : i64, scratch_operands = 5 : i64, tpu.core_type = #tpu.core_type<sc_vector_subcore>, window_params = [{transform_indices = #map}, {transform_indices = #map1}, {transform_indices = #map1}, {transform_indices = #map1}, {transform_indices = #map1}]} {
    %mul3A = arith.constant 2 : i32
    %mul3A_0 = arith.muli %arg1, %mul3A : i32
    %add3A = arith.addi %mul3A_0, %arg0 : i32
    %lt3A = arith.constant 8 : i32
    %lt3A_1 = arith.cmpi slt, %add3A, %lt3A : i32
    %convert_element_type3A = arith.extui %lt3A_1 : i1 to i32
    %cond3A = arith.constant 0 : i32
    %cond3A_2 = arith.cmpi ne, %convert_element_type3A, %cond3A : i32
    scf.if %cond3A_2 {
      %mul3A_3 = arith.constant 8 : i32
      %mul3A_4 = arith.muli %add3A, %mul3A_3 : i32
      "tpu.region"() ({
        %run_scoped3A = tpu.sem_alloc : memref<!tpu.dma_semaphore, #tpu.memory_space<semaphore_mem>>
        %dma_start3A_15 = tpu.memref_slice %arg2[%mul3A_4] : memref<64xi32, #tpu.memory_space<hbm>> -> memref<8xi32, #tpu.memory_space<hbm>>
        %dma_start3A_16 = tpu.memref_slice %arg2[%mul3A_4] : memref<64xi32, #tpu.memory_space<hbm>> -> memref<8xi32, #tpu.memory_space<hbm>>
        tpu.enqueue_dma source(%dma_start3A_16 : memref<8xi32, #tpu.memory_space<hbm>>) target(%arg7 : memref<8xi32, #tpu.memory_space<vmem>>) target_semaphore(%run_scoped3A : memref<!tpu.dma_semaphore, #tpu.memory_space<semaphore_mem>>)
        %dma_wait3A_17 = tpu.memref_slice %arg2[%mul3A_4] : memref<64xi32, #tpu.memory_space<hbm>> -> memref<8xi32, #tpu.memory_space<hbm>>
        %dma_wait3A_18 = tpu.memref_slice %arg2[%mul3A_4] : memref<64xi32, #tpu.memory_space<hbm>> -> memref<8xi32, #tpu.memory_space<hbm>>
        tpu.wait_dma2 semaphore(%run_scoped3A : memref<!tpu.dma_semaphore, #tpu.memory_space<semaphore_mem>>) src(%dma_wait3A_18 : memref<8xi32, #tpu.memory_space<hbm>>) dst(%arg7 : memref<8xi32, #tpu.memory_space<vmem>>)
        tpu.yield
      }) : () -> ()
      %dma_start3A = arith.constant 0 : i32
      %dma_start3A_5 = arith.constant 0 : i32
      %dma_start3A_6 = tpu.memref_slice %arg3[%dma_start3A, %dma_start3A_5] : memref<1000x768xf32, #tpu.memory_space<hbm>> -> memref<1000x768xf32, #tpu.memory_space<hbm>>
      tpu.enqueue_indirect_dma source(%dma_start3A_6 : memref<1000x768xf32, #tpu.memory_space<hbm>>) target(%arg8 : memref<8x768xf32, #tpu.memory_space<vmem>>) offsets(%arg7 : memref<8xi32, #tpu.memory_space<vmem>>) semaphore(%arg10 : memref<!tpu.dma_semaphore, #tpu.memory_space<semaphore_mem>>)
      %dma_start3A_7 = arith.constant 0 : i32
      %dma_start3A_8 = arith.constant 0 : i32
      %dma_start3A_9 = tpu.memref_slice %arg4[%dma_start3A_7, %dma_start3A_8] : memref<1000x768xf32, #tpu.memory_space<hbm>> -> memref<1000x768xf32, #tpu.memory_space<hbm>>
      tpu.enqueue_indirect_dma source(%dma_start3A_9 : memref<1000x768xf32, #tpu.memory_space<hbm>>) target(%arg9 : memref<8x768xf32, #tpu.memory_space<vmem>>) offsets(%arg7 : memref<8xi32, #tpu.memory_space<vmem>>) semaphore(%arg11 : memref<!tpu.dma_semaphore, #tpu.memory_space<semaphore_mem>>)
      %dma_wait3A = arith.constant 0 : i32
      %dma_wait3A_10 = arith.constant 0 : i32
      %dma_wait3A_11 = tpu.memref_slice %arg3[%dma_wait3A, %dma_wait3A_10] : memref<1000x768xf32, #tpu.memory_space<hbm>> -> memref<1000x768xf32, #tpu.memory_space<hbm>>
      tpu.wait_indirect_dma semaphore(%arg10 : memref<!tpu.dma_semaphore, #tpu.memory_space<semaphore_mem>>) src(%dma_wait3A_11 : memref<1000x768xf32, #tpu.memory_space<hbm>>) dst(%arg8 : memref<8x768xf32, #tpu.memory_space<vmem>>)
      "tpu.region"() ({
        %run_scoped3A = tpu.sem_alloc : memref<!tpu.dma_semaphore, #tpu.memory_space<semaphore_mem>>
        %dma_start3A_15 = arith.constant 0 : i32
        %dma_start3A_16 = tpu.memref_slice %arg5[%mul3A_4, %dma_start3A_15] : memref<64x768xf32, #tpu.memory_space<hbm>> -> memref<8x768xf32, #tpu.memory_space<hbm>>
        %dma_start3A_17 = arith.constant 0 : i32
        %dma_start3A_18 = tpu.memref_slice %arg5[%mul3A_4, %dma_start3A_17] : memref<64x768xf32, #tpu.memory_space<hbm>> -> memref<8x768xf32, #tpu.memory_space<hbm>>
        tpu.enqueue_dma source(%arg8 : memref<8x768xf32, #tpu.memory_space<vmem>>) target(%dma_start3A_18 : memref<8x768xf32, #tpu.memory_space<hbm>>) target_semaphore(%run_scoped3A : memref<!tpu.dma_semaphore, #tpu.memory_space<semaphore_mem>>)
        %dma_wait3A_19 = arith.constant 0 : i32
        %dma_wait3A_20 = tpu.memref_slice %arg5[%mul3A_4, %dma_wait3A_19] : memref<64x768xf32, #tpu.memory_space<hbm>> -> memref<8x768xf32, #tpu.memory_space<hbm>>
        %dma_wait3A_21 = arith.constant 0 : i32
        %dma_wait3A_22 = tpu.memref_slice %arg5[%mul3A_4, %dma_wait3A_21] : memref<64x768xf32, #tpu.memory_space<hbm>> -> memref<8x768xf32, #tpu.memory_space<hbm>>
        tpu.wait_dma2 semaphore(%run_scoped3A : memref<!tpu.dma_semaphore, #tpu.memory_space<semaphore_mem>>) src(%arg8 : memref<8x768xf32, #tpu.memory_space<vmem>>) dst(%dma_wait3A_22 : memref<8x768xf32, #tpu.memory_space<hbm>>)
        tpu.yield
      }) : () -> ()
      %dma_wait3A_12 = arith.constant 0 : i32
      %dma_wait3A_13 = arith.constant 0 : i32
      %dma_wait3A_14 = tpu.memref_slice %arg4[%dma_wait3A_12, %dma_wait3A_13] : memref<1000x768xf32, #tpu.memory_space<hbm>> -> memref<1000x768xf32, #tpu.memory_space<hbm>>
      tpu.wait_indirect_dma semaphore(%arg11 : memref<!tpu.dma_semaphore, #tpu.memory_space<semaphore_mem>>) src(%dma_wait3A_14 : memref<1000x768xf32, #tpu.memory_space<hbm>>) dst(%arg9 : memref<8x768xf32, #tpu.memory_space<vmem>>)
      "tpu.region"() ({
        %run_scoped3A = tpu.sem_alloc : memref<!tpu.dma_semaphore, #tpu.memory_space<semaphore_mem>>
        %dma_start3A_15 = arith.constant 0 : i32
        %dma_start3A_16 = tpu.memref_slice %arg6[%mul3A_4, %dma_start3A_15] : memref<64x768xf32, #tpu.memory_space<hbm>> -> memref<8x768xf32, #tpu.memory_space<hbm>>
        %dma_start3A_17 = arith.constant 0 : i32
        %dma_start3A_18 = tpu.memref_slice %arg6[%mul3A_4, %dma_start3A_17] : memref<64x768xf32, #tpu.memory_space<hbm>> -> memref<8x768xf32, #tpu.memory_space<hbm>>
        tpu.enqueue_dma source(%arg9 : memref<8x768xf32, #tpu.memory_space<vmem>>) target(%dma_start3A_18 : memref<8x768xf32, #tpu.memory_space<hbm>>) target_semaphore(%run_scoped3A : memref<!tpu.dma_semaphore, #tpu.memory_space<semaphore_mem>>)
        %dma_wait3A_19 = arith.constant 0 : i32
        %dma_wait3A_20 = tpu.memref_slice %arg6[%mul3A_4, %dma_wait3A_19] : memref<64x768xf32, #tpu.memory_space<hbm>> -> memref<8x768xf32, #tpu.memory_space<hbm>>
        %dma_wait3A_21 = arith.constant 0 : i32
        %dma_wait3A_22 = tpu.memref_slice %arg6[%mul3A_4, %dma_wait3A_21] : memref<64x768xf32, #tpu.memory_space<hbm>> -> memref<8x768xf32, #tpu.memory_space<hbm>>
        tpu.wait_dma2 semaphore(%run_scoped3A : memref<!tpu.dma_semaphore, #tpu.memory_space<semaphore_mem>>) src(%arg9 : memref<8x768xf32, #tpu.memory_space<vmem>>) dst(%dma_wait3A_22 : memref<8x768xf32, #tpu.memory_space<hbm>>)
        tpu.yield
      }) : () -> ()
    } else {
    }
    return
  }
}

module attributes {stable_mosaic.version = 14 : i64} {
  func.func @body(%arg0: i32, %arg1: memref<8x196x768xf32, #tpu.memory_space<vmem>>, %arg2: memref<8x768xf32, #tpu.memory_space<vmem>>, %arg3: memref<8x768xf32, #tpu.memory_space<vmem>>, %arg4: memref<8x196x768xf32, #tpu.memory_space<vmem>>) attributes {dimension_semantics = [#tpu.dimension_semantics<arbitrary>], iteration_bounds = array<i64: 8>, scalar_prefetch = 0 : i64, scratch_operands = 0 : i64, tpu.core_type = #tpu.core_type<tc>, window_params = [{transform_indices = @transform_0, window_bounds = array<i64: 8, 196, 768>}, {transform_indices = @transform_1, window_bounds = array<i64: 8, 768>}, {transform_indices = @transform_2, window_bounds = array<i64: 8, 768>}, {transform_indices = @transform_3, window_bounds = array<i64: 8, 196, 768>}]} {
    %get3A = arith.constant 0 : index
    %get3A_0 = arith.constant 0 : index
    %get3A_1 = arith.constant 0 : index
    %get3A_2 = vector.load %arg1[%get3A, %get3A_0, %get3A_1] : memref<8x196x768xf32, #tpu.memory_space<vmem>>, vector<8x196x768xf32>
    %get3A_3 = arith.constant 0 : index
    %get3A_4 = arith.constant 0 : index
    %get3A_5 = vector.load %arg2[%get3A_3, %get3A_4] : memref<8x768xf32, #tpu.memory_space<vmem>>, vector<8x768xf32>
    %broadcast_in_dim3A = vector.shape_cast %get3A_5 : vector<8x768xf32> to vector<8x1x768xf32>
    %mul3A = vector.broadcast %broadcast_in_dim3A : vector<8x1x768xf32> to vector<8x196x768xf32>
    %mul3A_6 = arith.mulf %get3A_2, %mul3A : vector<8x196x768xf32>
    %get3A_7 = arith.constant 0 : index
    %get3A_8 = arith.constant 0 : index
    %get3A_9 = vector.load %arg3[%get3A_7, %get3A_8] : memref<8x768xf32, #tpu.memory_space<vmem>>, vector<8x768xf32>
    %broadcast_in_dim3A_10 = vector.shape_cast %get3A_9 : vector<8x768xf32> to vector<8x1x768xf32>
    %add3A = vector.broadcast %broadcast_in_dim3A_10 : vector<8x1x768xf32> to vector<8x196x768xf32>
    %add3A_11 = arith.addf %mul3A_6, %add3A : vector<8x196x768xf32>
    %swap3A = arith.constant 0 : index
    %swap3A_12 = arith.constant 0 : index
    %swap3A_13 = arith.constant 0 : index
    %swap3A_14 = vector.load %arg4[%swap3A, %swap3A_12, %swap3A_13] : memref<8x196x768xf32, #tpu.memory_space<vmem>>, vector<8x196x768xf32>
    tpu.vector_store %arg4[%swap3A, %swap3A_12, %swap3A_13], %add3A_11 {strides = array<i32>} : memref<8x196x768xf32, #tpu.memory_space<vmem>>, vector<8x196x768xf32>,
    return
  }
  func.func @transform_0(%arg0: i32) -> (i32, i32, i32) {
    %c0_i32 = arith.constant 0 : i32
    %c0_i32_0 = arith.constant 0 : i32
    %c0_i32_1 = arith.constant 0 : i32
    return %arg0, %c0_i32, %c0_i32_0 : i32, i32, i32
  }
  func.func @transform_1(%arg0: i32) -> (i32, i32) {
    %c0_i32 = arith.constant 0 : i32
    %c0_i32_0 = arith.constant 0 : i32
    return %arg0, %c0_i32 : i32, i32
  }
  func.func @transform_2(%arg0: i32) -> (i32, i32) {
    %c0_i32 = arith.constant 0 : i32
    %c0_i32_0 = arith.constant 0 : i32
    return %arg0, %c0_i32 : i32, i32
  }
  func.func @transform_3(%arg0: i32) -> (i32, i32, i32) {
    %c0_i32 = arith.constant 0 : i32
    %c0_i32_0 = arith.constant 0 : i32
    %c0_i32_1 = arith.constant 0 : i32
    return %arg0, %c0_i32, %c0_i32_0 : i32, i32, i32
  }
}

</mosaic_0001>

<sc_bundles>
// kernel: kernel.4.cloned.1.call-start
scs
__scs_entry_jumppad:
0x0: {  	(pc) =	sbr.rel $0x88, $3  }
0x1: {  	(tag) =	ssettag $0x0;
	lr =	simm.s32 $0x1  }
0x2: {  	[smem:$0x3F9D] =	sst lr;
	_ =	strace $0xD0000000  }
0x3: {  	_ = 	snop  }
0x4: {  	_ = 	snop  }
0x5: {  	_ = 	snop  }
0x6: {  	_ = 	snop  }
0x7: {  	_ = 	snop  }
__scs_overlays_trampoline_lowered:
0x8: {  	[smem:$0x3FAC] =	sst s0  }
0x9: {  	[smem:$0x3FAD] =	sst s1  }
0xa: {  	[smem:$0x3FAE] =	sst s2  }
0xb: {  	[smem:$0x3FAF] =	sst s3  }
0xc: {  	[smem:$0x3FB0] =	sst s4  }
0xd: {  	[smem:$0x3FB1] =	sst s5  }
0xe: {  	[smem:$0x3FB2] =	sst s6  }
0xf: {  	[smem:$0x3FB3] =	sst s7  }
0x10: {  	[smem:$0x3FB4] =	sst s8  }
0x11: {  	[smem:$0x3FB5] =	sst s9;
	s0 =	simm.s32 @!p0 $0x0  }
0x12: {  	s1 =	sld [smem:$0x3F9B];
	s0 =	simm.s32 @p0 $0x1  }
0x13: {  	[smem:$0x3FB6] =	sst s0;
	s0 =	simm.s32 @!p1 $0x0  }
0x14: {  	s2 =	sld [smem:$0x3F9A];
	s0 =	simm.s32 @p1 $0x1  }
0x15: {  	[smem:$0x3FB7] =	sst s0;
	s0 =	simm.s32 @!p2 $0x0  }
0x16: {  	s3 =	sld [smem:$0x3FDB];
	s0 =	simm.s32 @p2 $0x1  }
0x17: {  	s4 =	simm.s32 $0x1BF5;
	[smem:$0x3FB9] =	sst s0  }
0x18: {  	s0 =	sld [smem:$0x3F9C];
	_ =	swait.ge [sflag:s4], $0x0  }
0x19: {  	s7 =	sld [smem:$0x3F9D]  }
0x1a: {  	s8 =	sadd.s32 $0xFFFFE003, lr  }
0x1b: {  	s9 =	sadd.s32 $0xFFFFFEF7, lr;
	s5 =	simm.s32 $0xFFFFFFFF;
	p2 =	slt.u32 s8, $0xFFFFF086  }
0x1c: {  	p1 =	slt.u32 s9, $0xF7A;
	s5 =	simm.s32 @!p2 $0x0  }
0x1d: {  	s5 =	simm.s32 @p1 $0x1;
	p0 =	seq.s32 s7, s2  }
0x1e: {  	s7 =	smul.u32 @!p0 $0xF7A, s2;
	p2 =	seq.s32 @!p0 s5, $0x0  }
0x1f: {  	s9 =	smul.u32 $0xF7A, s1;
	s8 =	simm.s32 @!p0 $0x1BF5;
	p2 =	por !p2, p0  }
0x20: {  	[sflag:s8] =	ssyncset.s32 @!p0 $0xFFFFF086;
	s6 =	sadd.s32 @!p0 s3, s7;
	s7 =	simm.s32 @!p0 $0x108  }
0x21: {  	s3 =	sadd.s32 s3, s9;
	s6 =	sadd.s32 @!p0 $0x88, s6;
	s7 =	simm.s32 @p2 $0x1082  }
0x22: {  	[simem:s7], [sflag:s8] =	dma.local @!p0 [hbm:s6], $0xF7A  }
0x23: {  	s9 =	sor.u32 $0xD0000000, s2;
	s6 =	simm.s32 $0x108;
	_ =	swait.ge @!p0 [sflag:s8], $0x0  }
0x24: {  	s3 =	sadd.s32 $0x88, s3;
	s6 =	simm.s32 @!p1 $0x1082;
	[sflag:s4] =	ssyncset.s32 $0xFFFFF086  }
0x25: {  	[simem:s6], [sflag:s4] =	dma.local [hbm:s3], $0xF7A  }
0x26: {  	[smem:$0x3F9D] =	sst s1;
	(tag) =	ssettag s2;
	_ =	strace s9  }
0x27: {  	s1 =	sld [smem:$0x3FAD]  }
0x28: {  	s2 =	sld [smem:$0x3FAE]  }
0x29: {  	s4 =	sld [smem:$0x3FB0]  }
0x2a: {  	p0 =	seq.s32 s5, $0x0;
	s5 =	sld [smem:$0x3FB1]  }
0x2b: {  	s6 =	sld [smem:$0x3FB2]  }
0x2c: {  	s7 =	sld [smem:$0x3FB3]  }
0x2d: {  	s3 =	simm.s32 $0x108;
	s8 =	sld [smem:$0x3FB4]  }
0x2e: {  	s3 =	simm.s32 @!p0 $0x1082;
	s9 =	sld [smem:$0x3FB5]  }
0x2f: {  	lr =	sadd.s32 s0, s3;
	s0 =	sld [smem:$0x3FAC]  }
0x30: {  	s3 =	sld [smem:$0x3FAF]  }
0x31: {  	[smem:$0x3FB8] =	sst s10  }
0x32: {  	s10 =	sld [smem:$0x3FB6];
	_ =	sdelay $0x3  }
0x33: {  	p0 =	seq.s32 s10, $0x1;
	s10 =	sld [smem:$0x3FB8];
	_ =	sdelay $0x3  }
0x34: {  	[smem:$0x3FB8] =	sst s10  }
0x35: {  	s10 =	sld [smem:$0x3FB7];
	_ =	sdelay $0x3  }
0x36: {  	p1 =	seq.s32 s10, $0x1;
	s10 =	sld [smem:$0x3FB8];
	_ =	sdelay $0x3  }
0x37: {  	[smem:$0x3FB8] =	sst s10  }
0x38: {  	s10 =	sld [smem:$0x3FB9]  }
0x39: {  	_ = 	snop;
	(pc) =	sbr.ind lr, $3  }
0x3a: {  	_ = 	snop  }
0x3b: {  	_ = 	snop  }
0x3c: {  	p2 =	seq.s32 s10, $0x1;
	s10 =	sld [smem:$0x3FB8]  }
0x3d: {  	_ =	shalt  }
0x3e: {  	_ =	shalt  }
0x3f: {  	_ =	shalt  }
0x40: {  	_ =	shalt  }
0x41: {  	_ =	shalt  }
0x42: {  	_ =	shalt  }
0x43: {  	_ =	shalt  }
0x44: {  	_ =	shalt  }
0x45: {  	_ =	shalt  }
0x46: {  	_ =	shalt  }
0x47: {  	_ =	shalt  }
0x48: {  	_ =	shalt  }
0x49: {  	_ =	shalt  }
0x4a: {  	_ =	shalt  }
0x4b: {  	_ =	shalt  }
0x4c: {  	_ =	shalt  }
0x4d: {  	_ =	shalt  }
0x4e: {  	_ =	shalt  }
0x4f: {  	_ =	shalt  }
0x50: {  	_ =	shalt  }
0x51: {  	_ =	shalt  }
0x52: {  	_ =	shalt  }
0x53: {  	_ =	shalt  }
0x54: {  	_ =	shalt  }
0x55: {  	_ =	shalt  }
0x56: {  	_ =	shalt  }
0x57: {  	_ =	shalt  }
0x58: {  	_ =	shalt  }
0x59: {  	_ =	shalt  }
0x5a: {  	_ =	shalt  }
0x5b: {  	_ =	shalt  }
0x5c: {  	_ =	shalt  }
0x5d: {  	_ =	shalt  }
0x5e: {  	_ =	shalt  }
0x5f: {  	_ =	shalt  }
0x60: {  	_ =	shalt  }
0x61: {  	_ =	shalt  }
0x62: {  	_ =	shalt  }
0x63: {  	_ =	shalt  }
0x64: {  	_ =	shalt  }
0x65: {  	_ =	shalt  }
0x66: {  	_ =	shalt  }
0x67: {  	_ =	shalt  }
0x68: {  	_ =	shalt  }
0x69: {  	_ =	shalt  }
0x6a: {  	_ =	shalt  }
0x6b: {  	_ =	shalt  }
0x6c: {  	_ =	shalt  }
0x6d: {  	_ =	shalt  }
0x6e: {  	_ =	shalt  }
0x6f: {  	_ =	shalt  }
0x70: {  	_ =	shalt  }
0x71: {  	_ =	shalt  }
0x72: {  	_ =	shalt  }
0x73: {  	_ =	shalt  }
0x74: {  	_ =	shalt  }
0x75: {  	_ =	shalt  }
0x76: {  	_ =	shalt  }
0x77: {  	_ =	shalt  }
0x78: {  	_ =	shalt  }
0x79: {  	_ =	shalt  }
0x7a: {  	_ =	shalt  }
0x7b: {  	_ =	shalt  }
0x7c: {  	_ =	shalt  }
0x7d: {  	_ =	shalt  }
0x7e: {  	_ =	shalt  }
0x7f: {  	_ =	shalt  }
0x80: {  	_ =	shalt  }
0x81: {  	_ =	shalt  }
0x82: {  	_ =	shalt  }
0x83: {  	_ =	shalt  }
0x84: {  	_ =	shalt  }
0x85: {  	_ =	shalt  }
0x86: {  	_ =	shalt  }
0x87: {  	_ =	shalt  }
.Lfunc_end0:
.L_simem_size_0:
called_computation_lowered:
.L_overlay_start_0:
0x88: {  	s2 =	sld [smem:$0x3FD9]  }
0x89: {  	s3 =	sld [smem:$0x3FFE];
	_ =	sdelay $0x1  }
0x8a: {  	s1 =	srdreg.scid  }
0x8b: {  	s0 =	sand.u32 $0x1, s1  }
0x8c: {  	s17 =	sshll.u32 s0, $0xA;
	s2 =	sadd.s32 s3, s2  }
0x8d: {  	s2 =	sadd.s32 s2, s17  }
0x8e: {  	[smem:$0x3FC4] =	sst s2  }
0x8f: {  	_ = 	snop  }
0x90: {  	s2 =	sld [smem:$0x3FC8]  }
0x91: {  	s18 =	sld [smem:$0x3FC7]  }
0x92: {  	s4 =	sld [smem:$0x3FC6]  }
0x93: {  	s5 =	sld [smem:$0x3FD0];
	(tm) =	ssettm $0x1  }
0x94: {  	s6 =	sld [smem:$0x3FFB];
	_ =	sdelay $0x3  }
0x95: {  	_ =	strace s6  }
0x96: {  	s6 =	sld [smem:$0x3FFC];
	_ =	sdelay $0x3  }
0x97: {  	_ =	strace s6  }
0x98: {  	s6 =	sld [smem:$0x3FFD];
	_ =	sdelay $0x3  }
0x99: {  	_ =	strace s6  }
0x9a: {  	_ =	strace $0x8FFFFFFF  }
0x9b: {  	s19 =	sld [smem:$0x3FDB];
	_ =	sdelay $0x1  }
0x9c: {  	s7 =	simm.s32 $_scs_section_size  }
0x9d: {  	s8 =	simm.s32 $_size__tile_overlayer_lowered;
	s9 =	simm.s32 $_tile_overlayer_lowered  }
0x9e: {  	s22 =	simm.s32 $0x1BFF;
	s21 =	sshll.u32 s9, $0x1;
	s6 =	sadd.s32 s7, s19  }
0x9f: {  	s10 =	simm.s32 $0x0;
	s20 =	sshll.u32 s8, $0x1;
	s8 =	sadd.s32 s21, s6  }
0xa0: {  	[timem:s10], [sflag:s22] =	dma.local [hbm:s8], s20  }
0xa1: {  	_ =	swait.ge [sflag:s22], s20  }
0xa2: {  	s7 =	ssub.s32 $0x0, s20;
	[sflag:s22] =	ssyncset.done $0x0  }
0xa3: {  	[sflag:s22] =	ssyncadd.s32 s7;
	_ =	sdelay $0x1  }
0xa4: {  	s23 =	simm.s32 $0x1B8B  }
0xa5: {  	_ =	swait.ge [sflag:s23], $0x1  }
0xa6: {  	[sflag:s23] =	ssyncset.done $0x0  }
0xa7: {  	s25 =	simm.s32 $0x1B8E;
	s24 =	sld [smem:$0x3FFE];
	[sflag:s23] =	ssyncadd.s32 $0xFFFFFFFF  }
0xa8: {  	s26 =	simm.s32 $execute0_lowered;
	[smem:$0x3FD2] =	sst s25  }
0xa9: {  	s8 =	sshll.u32 s26, $0x1;
	_ =	strace $0x80000046;
	[dreg:$0x1] =	wrdreg $0xFFFFFFFF  }
0xaa: {  	s28 =	simm.s32 $_size_execute0_lowered;
	s6 =	sadd.s32 s6, s8;
	[dreg:$0x0] =	wrdreg $0x0  }
0xab: {  	s8 =	sshll.u32 s28, $0x1;
	[dreg:$0x2] =	wrdreg s6  }
0xac: {  	[dreg:$0x3] =	wrdreg s8  }
0xad: {  	[dreg:$0x4] =	wrdreg $0xC0  }
0xae: {  	_ =	task [dreg:s10], $0x5FFFF  }
0xaf: {  	[dreg:$0x1] =	wrdreg $0xFFFFFFFF  }
0xb0: {  	[dreg:$0x0] =	wrdreg $0x60  }
0xb1: {  	[dreg:$0x2] =	wrdreg s2  }
0xb2: {  	[dreg:$0x3] =	wrdreg s18  }
0xb3: {  	[dreg:$0x4] =	wrdreg s4  }
0xb4: {  	[dreg:$0x5] =	wrdreg s5  }
0xb5: {  	[dreg:$0x6] =	wrdreg s24  }
0xb6: {  	[dreg:$0x7] =	wrdreg $0x9  }
0xb7: {  	_ =	task.clear_ibuf [dreg:s10], $0x8FFFF;
	_ =	strace $0x90000046  }
0xb8: {  	s29 =	simm.s32 $0x9;
	_ =	strace $0x80000048  }
0xb9: {  	_ =	swait.ge [sflag:s29], $0x1  }
0xba: {  	[sflag:s29] =	ssyncadd.s32 $0xFFFFFFFF  }
0xbb: {  	_ =	strace $0x90000048  }
0xbc: {  	_ =	sfence  }
0xbd: {  	s30 =	sld [smem:$0x0];
	_ =	sdelay $0x2  }
0xbe: {  	s31 =	sshll.u32 s1, $0xD;
	s1 =	sshrl.u32 s1, $0x2  }
0xbf: {  	s3 =	sand.u32 $0x4000, s31;
	s1 =	sadd.s32 s1, s30  }
0xc0: {  	s0 =	sor.u32 s3, s0;
	s1 =	sshll.u32 s1, $0x11  }
0xc1: {  	s0 =	sor.u32 s1, s0  }
0xc2: {  	s0 =	sadd.s32 $0x8F2B, s0  }
0xc3: {  	[sflag:s0] =	ssyncadd.remote.s32 $0x1  }
0xc4: {  	_ =	sfence.sel $0xFFFF  }
0xc5: {  	[dreg:$0x0] =	wrdreg $0xFFFFFFFF;
	(pc) =	sbr.abs _section_cstart, $3  }
0xc6: {  	[dreg:$0x1] =	wrdreg $0xFFFFFFFF  }
0xc7: {  	_ =	task.clear_ibuf [dreg:s10], $0x2FFFF;
	_ =	strace $0x9FFFFFFF  }
0xc8: {  	(tm) =	ssettm $0x7FFFFFFF  }
0xc9: {  	_ =	shalt  }
tec
execute0_lowered:
.L_overlay_start_1:
0x0: {  	(tag) =	ssettag $0x1  }
0x1: {  	s11 =	rddreg [dreg:$0x0];
	s3 =	stileid.u32  }
0x2: {  	s1 =	rddreg [dreg:$0x1];
	p0 =	sgt.u32 s3, $0x3  }
.Ltmp0:
0x3: {  	s2 =	rddreg [dreg:$0x2];
	(pc) =	sbr.rel @p0 .LBB2_3-.Ltmp0, $4  }
0x4: {  	s9 =	rddreg [dreg:$0x3]  }
0x5: {  	s5 =	rddreg [dreg:$0x4];
	s4 =	simm.s32 $0x0  }
0x6: {  	[smem:$0x7FF] =	sst s4  }
0x7: {  	s0 =	rddreg [dreg:$0x5];
	_ =	strace $0x80000047  }
0x8: {  	s6 =	srdreg.scid;
	s7 =	sshll.u32 s3, $0x1  }
0x9: {  	s8 =	sadd.s32 $0x200, s2;
	s16 =	simm.s32 $0x1080;
	s17 =	simm.s32 $0x1880  }
0xa: {  	s18 =	simm.s32 $0x2080;
	s19 =	simm.s32 $0x2880;
	s6 =	sand.u32 $0x1, s6  }
0xb: {  	s20 =	simm.s32 $0x1;
	s21 =	simm.s32 $0x2;
	s12 =	sor.u32 s6, s7  }
0xc: {  	s14 =	ssub.s32 $0x2, s6;
	s6 =	sadd.s32 $0x200, s1;
	s10 =	smul.u32 $0x300, s12  }
0xd: {  	s7 =	sadd.s32 $0x100, s2;
	s15 =	sshrl.u32 s14, $0x1;
	s11 =	sadd.s32 s11, s12  }
0xe: {  	v0 =	vlaneseq.u32;
	s14 =	ssub.s32 s14, s15;
	s15 =	simm.s32 $0x880;
	s13 =	sadd.s32 s10, s5  }
0xf: {  	v1 =	vshrl.u32 v0, $0x3;
	s5 =	sadd.s32 $0x100, s1;
	s9 =	sadd.s32 s9, s10;
	s12 =	smax.u32 s14, $0x1  }
0x10: {  	vm0 =	vmmov $0xffff;
	v0 =	vand.u32 $0x7, v0;
	v1 =	vmul.u32 $0x8, v1;
	s14 =	simm.s32 $0x80;
	s10 =	sadd.s32 $0xC00, s13;
	s13 =	simm.s32 $0x3  }
.LBB2_2:
0x11: {  	[tilespmem:s4], [sflag:$0x3] =	stream.linear.gather [hbm4b:s11+s4], $0x8, $0x38;
	[tilespmem:$0x3080] =	vst v63  }
0x12: {  	_ =	swait.ge [sflag:s13], $0x8  }
0x13: {  	[sflag:s13] =	ssyncset.done $0x0  }
0x14: {  	[sflag:s13] =	ssyncadd.s32 $0xFFFFFFF8  }
0x15: {  	v2 =	vld.msk [tilespmem:$0x0], $0xff;
	_ =	sdelay $0x4  }
0x16: {  	v3 =	vshrl.u32 v2, $0x3  }
0x17: {  	v3 =	vmul.u32 $0x30, v3  }
0x18: {  	v2 =	vand.u32 $0x7, v2  }
0x19: {  	v2 =	vor.u32 v2, v3  }
0x1a: {  	v2 =	vperm.xlane v2, v0;
	_ =	sdelay $0x1  }
0x1b: {  	v2 =	vadd.s32 v1, v2;
	_ =	sdelay $0x4  }
0x1c: {  	[tilespmem:s14], [sflag:$0x1] =	stream.indirect_vreg.gather [hbm4b:s1+s4], $0x80, v2, vm0, $0xb8;
	[tilespmem:$0x3080] =	vst v63  }
0x1d: {  	_ = 	snop  }
0x1e: {  	[tilespmem:s15], [sflag:$0x1] =	stream.indirect_vreg.gather [hbm4b:s5+s4], $0x80, v2, vm0, $0xb8;
	[tilespmem:$0x3080] =	vst v63  }
0x1f: {  	_ = 	snop  }
0x20: {  	[tilespmem:s16], [sflag:$0x1] =	stream.indirect_vreg.gather [hbm4b:s6+s4], $0x80, v2, vm0, $0xb8;
	[tilespmem:$0x3080] =	vst v63  }
0x21: {  	v2 =	vld.msk [tilespmem:$0x0], $0xff;
	_ =	sdelay $0x4  }
0x22: {  	v3 =	vshrl.u32 v2, $0x3  }
0x23: {  	v3 =	vmul.u32 $0x30, v3  }
0x24: {  	v2 =	vand.u32 $0x7, v2  }
0x25: {  	v2 =	vor.u32 v2, v3  }
0x26: {  	v2 =	vperm.xlane v2, v0;
	_ =	sdelay $0x1  }
0x27: {  	v2 =	vadd.s32 v1, v2;
	_ =	sdelay $0x4  }
0x28: {  	[tilespmem:s17], [sflag:$0x2] =	stream.indirect_vreg.gather [hbm4b:s2+s4], $0x80, v2, vm0, $0xb8;
	[tilespmem:$0x3080] =	vst v63  }
0x29: {  	_ = 	snop  }
0x2a: {  	[tilespmem:s18], [sflag:$0x2] =	stream.indirect_vreg.gather [hbm4b:s7+s4], $0x80, v2, vm0, $0xb8;
	[tilespmem:$0x3080] =	vst v63  }
0x2b: {  	_ = 	snop  }
0x2c: {  	[tilespmem:s19], [sflag:$0x2] =	stream.indirect_vreg.gather [hbm4b:s8+s4], $0x80, v2, vm0, $0xb8;
	[tilespmem:$0x3080] =	vst v63  }
0x2d: {  	_ =	swait.ge [sflag:s20], $0x1800  }
0x2e: {  	[sflag:s20] =	ssyncset.done $0x0  }
0x2f: {  	[sflag:s20] =	ssyncadd.s32 $0xFFFFE800  }
0x30: {  	[hbm4b:s9+s4] =	stream.linear.scatter [tilespmem:s14], [sflag:$0x3], $0x1800, $0x38;
	[tilespmem:$0x3080] =	vst v63  }
0x31: {  	_ =	swait.ge [sflag:s13], $0x1800  }
0x32: {  	[sflag:s13] =	ssyncset.done $0x0  }
0x33: {  	[sflag:s13] =	ssyncadd.s32 $0xFFFFE800  }
0x34: {  	_ =	swait.ge [sflag:s21], $0x1800  }
0x35: {  	p0 =	sne.s32 s12, $0x1;
	[sflag:s21] =	ssyncset.done $0x0  }
.Ltmp1:
0x36: {  	[sflag:s21] =	ssyncadd.s32 $0xFFFFE800;
	(pc) =	sbr.rel @p0 .LBB2_2-.Ltmp1, $4  }
0x37: {  	[hbm4b:s10+s4] =	stream.linear.scatter [tilespmem:s17], [sflag:$0x3], $0x1800, $0x38;
	[tilespmem:$0x3080] =	vst v63  }
0x38: {  	_ =	swait.ge [sflag:s13], $0x1800  }
0x39: {  	[sflag:s13] =	ssyncset.done $0x0  }
0x3a: {  	s12 =	sadd.s32 $0xFFFFFFFF, s12;
	[sflag:s13] =	ssyncadd.s32 $0xFFFFE800  }
.LBB2_3:
0x3b: {  	_ =	sfence.sel $0x180000  }
0x3c: {  	[bflag:$0x0] =	sbarrier.arrive $0xFFFF  }
0x3d: {  	p0 =	sne.s32 s3, $0x0;
	_ =	strace $0x90000047  }
0x3e: {  	s0 =	sadd.s32 @!p0 $0x100000, s0;
	[bflag:$0x2] =	sbarrier.arrive $0xFFFF  }
0x3f: {  	[sflag:s0] =	ssyncadd.tile.s32 @!p0 $0x1;
	_ =	shalt  }
.Lfunc_end2:
_tile_overlayer_lowered:
.L_overlay_start_2:
0x40: {  	(tag) =	ssettag $0x2  }
0x41: {  	s0 =	rddreg [dreg:$0x0];
	s2 =	stileid.u32  }
0x42: {  	s1 =	rddreg [dreg:$0x1];
	p0 =	sne.s32 s2, $0x0  }
0x43: {  	s3 =	rddreg [dreg:$0x2];
	[bflag:$0x3] =	sbarrier.arrive $0xFFFF;
	s2 =	simm.s32 @!p0 $0x1C03  }
0x44: {  	[timem:s3], [sflag:s2] =	dma.local @!p0 [hbm:s0], s1  }
0x45: {  	s0 =	simm.s32 @!p0 $0x3  }
0x46: {  	_ =	swait.ge @!p0 [sflag:s0], s1  }
0x47: {  	s1 =	ssub.s32 @!p0 $0x0, s1;
	[sflag:s0] =	ssyncset.done @!p0 $0x0  }
0x48: {  	[sflag:s0] =	ssyncadd.s32 @!p0 s1  }
0x49: {  	[bflag:$0x3] =	sbarrier.arrive $0xFFFF  }
0x4a: {  	_ =	shalt  }

</sc_bundles>
